<compile_context>
chip_gen: v7x
topology: tpu7x:2x2x1
jax: 0.10.2.dev20260603
libtpu: 0.0.44.dev20260713+nightly
codegen_flags: <defaults>
</compile_context>

<pallas_src>
import functools

import jax
import jax.numpy as jnp
from jax import lax
from jax.experimental import pallas as pl
from jax.experimental.pallas import tpu as pltpu
from jax.experimental.pallas import tpu_sc as plsc

_LANES = 16
_KB = 2048


@functools.lru_cache(maxsize=None)
def _build_scatter(V, T):
    info = plsc.get_sparse_core_info()
    NC, NS = info.num_cores, info.num_subcores
    NW = NC * NS
    TPW = T // NW
    Vp = ((V + NS * 128 - 1) // (NS * 128)) * NS * 128
    CS = Vp // NS
    assert CS % 128 == 0

    mesh = plsc.VectorSubcoreMesh(core_axis_name="c", subcore_axis_name="s")

    @functools.partial(
        pl.kernel,
        out_type=jax.ShapeDtypeStruct((NC, Vp), jnp.float32),
        mesh=mesh,
        compiler_params=pltpu.CompilerParams(needs_layout_passes=False),
        scratch_types=[
            pltpu.VMEM((TPW,), jnp.int32),
            pltpu.VMEM((TPW,), jnp.float32),
            pltpu.VMEM((CS,), jnp.float32),
            pltpu.VMEM_SHARED((Vp,), jnp.float32),
        ],
    )
    def scatter_kernel(idx_hbm, coeff_hbm, out_hbm, idx_w, coeff_w, zer_v, s_sh):
        cid = lax.axis_index("c")
        sid = lax.axis_index("s")
        row = sid * NC + cid
        pltpu.sync_copy(idx_hbm.at[row], idx_w)
        pltpu.sync_copy(coeff_hbm.at[row], coeff_w)

        z = jnp.zeros((_LANES,), jnp.float32)

        def zero(i, carry):
            zer_v[pl.ds(i * _LANES, _LANES)] = z
            return carry

        lax.fori_loop(0, CS // _LANES, zero, None)
        pltpu.sync_copy(zer_v, s_sh.at[pl.ds(sid * CS, CS)])
        plsc.subcore_barrier()
        pltpu.sync_copy(coeff_w, s_sh.at[idx_w], add=True)
        plsc.subcore_barrier()
        pltpu.sync_copy(s_sh.at[pl.ds(sid * CS, CS)],
                        out_hbm.at[cid].at[pl.ds(sid * CS, CS)])

    return scatter_kernel


@functools.lru_cache(maxsize=None)
def _build_matvec(B, V, NC, Vp):
    grid = Vp // _KB
    tail_valid = V - (grid - 1) * _KB
    NG = _KB // 128

    def accum(xb, sb, acc_ref):
        t = xb[:, 0:128] * sb[:, 0:128]
        for g in range(1, NG):
            t = t + xb[:, g * 128:(g + 1) * 128] * sb[:, g * 128:(g + 1) * 128]
        acc_ref[...] += t

    def body(x_ref, s_ref, rhs_ref, out_ref, acc_ref):
        k = pl.program_id(0)
        sb = s_ref[0:1, :] + s_ref[1:2, :]

        @pl.when(k == 0)
        def _():
            acc_ref[...] = jnp.zeros_like(acc_ref)

        @pl.when(k < grid - 1)
        def _():
            accum(x_ref[...], sb, acc_ref)

        @pl.when(k == grid - 1)
        def _():
            lane = lax.broadcasted_iota(jnp.int32, (B, _KB), 1)
            xb = jnp.where(lane < tail_valid, x_ref[...], 0.0)
            accum(xb, sb, acc_ref)
            lhs = jnp.sum(acc_ref[...], axis=1)
            out_ref[...] = (lhs <= rhs_ref[0]).astype(jnp.int32)

    return pl.pallas_call(
        body,
        grid=(grid,),
        out_shape=jax.ShapeDtypeStruct((B,), jnp.int32),
        in_specs=[
            pl.BlockSpec((B, _KB), lambda k: (0, k)),
            pl.BlockSpec((NC, _KB), lambda k: (0, k)),
            pl.BlockSpec(memory_space=pltpu.SMEM),
        ],
        out_specs=pl.BlockSpec((B,), lambda k: (0,)),
        scratch_shapes=[pltpu.VMEM((B, 128), jnp.float32)],
        compiler_params=pltpu.CompilerParams(
            dimension_semantics=("arbitrary",)),
    )


def kernel(x, coeff_tensor, indices_tensor, rhs):
    B, V = x.shape
    T = indices_tensor.shape[0]
    info = plsc.get_sparse_core_info()
    NW = info.num_cores * info.num_subcores
    idx2 = indices_tensor.reshape(NW, T // NW)
    coeff2 = coeff_tensor.reshape(NW, T // NW)
    s = _build_scatter(V, T)(idx2, coeff2)
    rhs_arr = jnp.full((1,), rhs, dtype=jnp.float32)
    out = _build_matvec(B, V, s.shape[0], s.shape[1])(x, s, rhs_arr)
    return out.astype(bool)

# --- scband reference (transcript-rebuilt; emitter-appended) ---
"""Pipeline reference for scband-plinear-inequality-62354335203760 (READ-ONLY COPY).

The authoritative reference and input builder live on the scoring server;
editing this copy changes nothing except your own understanding.
"""

import jax, jax.numpy as jnp
import numpy as np

B = 1024   # batch
V = 100000 # number of variables (columns of x)
T = 512    # number of terms in the linear constraint lhs


def setup_inputs(seed: int = 0) -> dict:
    key = jax.random.key(seed)
    k1, k2, k3 = jax.random.split(key, 3)
    x = jax.random.normal(k1, (B, V), dtype=jnp.float32)
    # buffers built in __init__ from (linear_constraint, var_dict):
    indices_tensor = jax.random.randint(k2, (T,), 0, V, dtype=jnp.int32)
    coeff_tensor = jax.random.normal(k3, (T,), dtype=jnp.float32)
    rhs = 0.0  # linear_constraint.rhs; symbol is '<='
    return {"x": x, "coeff_tensor": coeff_tensor, "indices_tensor": indices_tensor, "rhs": rhs}


def reference(x, coeff_tensor, indices_tensor, rhs):
    # torch.vmap(gather(b, 0, idx)) over batch == column gather:
    gathered = jnp.take(x, indices_tensor, axis=1)          # [B, T]
    lhs = (gathered * coeff_tensor[None, :]).sum(axis=1)    # [B]
    # linear_constraint.symbol == '<='
    return lhs <= rhs                                       # bool[B]

if __name__ == "__main__":
    import jax
    _d = setup_inputs()
    print(jax.jit(kernel)(*tuple(_d.values())))

</pallas_src>

<mosaic_0001>
#map = affine_map<(d0, d1) -> (0, 0)>
module attributes {stable_mosaic.version = 14 : i64} {
  func.func @scatter_kernel(%arg0: i32, %arg1: i32, %arg2: memref<32x16xi32, #tpu.memory_space<hbm>>, %arg3: memref<32x16xf32, #tpu.memory_space<hbm>>, %arg4: memref<2x100352xf32, #tpu.memory_space<hbm>>, %arg5: memref<16xi32, #tpu.memory_space<vmem>>, %arg6: memref<16xf32, #tpu.memory_space<vmem>>, %arg7: memref<6272xf32, #tpu.memory_space<vmem>>, %arg8: memref<100352xf32, #tpu.memory_space<vmem_shared>>) attributes {dimension_semantics = [#tpu.dimension_semantics<core_parallel>, #tpu.dimension_semantics<subcore_parallel>], iteration_bounds = array<i64: 2, 16>, scalar_prefetch = 0 : i64, scratch_operands = 4 : i64, tpu.core_type = #tpu.core_type<sc_vector_subcore>, window_params = [{transform_indices = #map}, {transform_indices = #map}, {transform_indices = #map}]} {
    %mul3A = arith.constant 2 : i32
    %mul3A_0 = arith.muli %arg1, %mul3A : i32
    %add3A = arith.addi %mul3A_0, %arg0 : i32
    "tpu.region"() ({
      %run_scoped3A = tpu.sem_alloc : memref<!tpu.dma_semaphore, #tpu.memory_space<semaphore_mem>>
      %dma_start3A = arith.constant 0 : i32
      %dma_start3A_13 = tpu.memref_slice %arg2[%add3A, %dma_start3A] : memref<32x16xi32, #tpu.memory_space<hbm>> -> memref<1x16xi32, #tpu.memory_space<hbm>>
      %dma_start3A_14 = tpu.memref_squeeze %dma_start3A_13 : memref<1x16xi32, #tpu.memory_space<hbm>> -> memref<16xi32, #tpu.memory_space<hbm>>
      %dma_start3A_15 = arith.constant 0 : i32
      %dma_start3A_16 = tpu.memref_slice %arg2[%add3A, %dma_start3A_15] : memref<32x16xi32, #tpu.memory_space<hbm>> -> memref<1x16xi32, #tpu.memory_space<hbm>>
      %dma_start3A_17 = tpu.memref_squeeze %dma_start3A_16 : memref<1x16xi32, #tpu.memory_space<hbm>> -> memref<16xi32, #tpu.memory_space<hbm>>
      tpu.enqueue_dma source(%dma_start3A_17 : memref<16xi32, #tpu.memory_space<hbm>>) target(%arg5 : memref<16xi32, #tpu.memory_space<vmem>>) target_semaphore(%run_scoped3A : memref<!tpu.dma_semaphore, #tpu.memory_space<semaphore_mem>>)
      %dma_wait3A = arith.constant 0 : i32
      %dma_wait3A_18 = tpu.memref_slice %arg2[%add3A, %dma_wait3A] : memref<32x16xi32, #tpu.memory_space<hbm>> -> memref<1x16xi32, #tpu.memory_space<hbm>>
      %dma_wait3A_19 = tpu.memref_squeeze %dma_wait3A_18 : memref<1x16xi32, #tpu.memory_space<hbm>> -> memref<16xi32, #tpu.memory_space<hbm>>
      %dma_wait3A_20 = arith.constant 0 : i32
      %dma_wait3A_21 = tpu.memref_slice %arg2[%add3A, %dma_wait3A_20] : memref<32x16xi32, #tpu.memory_space<hbm>> -> memref<1x16xi32, #tpu.memory_space<hbm>>
      %dma_wait3A_22 = tpu.memref_squeeze %dma_wait3A_21 : memref<1x16xi32, #tpu.memory_space<hbm>> -> memref<16xi32, #tpu.memory_space<hbm>>
      tpu.wait_dma2 semaphore(%run_scoped3A : memref<!tpu.dma_semaphore, #tpu.memory_space<semaphore_mem>>) src(%dma_wait3A_22 : memref<16xi32, #tpu.memory_space<hbm>>) dst(%arg5 : memref<16xi32, #tpu.memory_space<vmem>>)
      tpu.yield
    }) : () -> ()
    "tpu.region"() ({
      %run_scoped3A = tpu.sem_alloc : memref<!tpu.dma_semaphore, #tpu.memory_space<semaphore_mem>>
      %dma_start3A = arith.constant 0 : i32
      %dma_start3A_13 = tpu.memref_slice %arg3[%add3A, %dma_start3A] : memref<32x16xf32, #tpu.memory_space<hbm>> -> memref<1x16xf32, #tpu.memory_space<hbm>>
      %dma_start3A_14 = tpu.memref_squeeze %dma_start3A_13 : memref<1x16xf32, #tpu.memory_space<hbm>> -> memref<16xf32, #tpu.memory_space<hbm>>
      %dma_start3A_15 = arith.constant 0 : i32
      %dma_start3A_16 = tpu.memref_slice %arg3[%add3A, %dma_start3A_15] : memref<32x16xf32, #tpu.memory_space<hbm>> -> memref<1x16xf32, #tpu.memory_space<hbm>>
      %dma_start3A_17 = tpu.memref_squeeze %dma_start3A_16 : memref<1x16xf32, #tpu.memory_space<hbm>> -> memref<16xf32, #tpu.memory_space<hbm>>
      tpu.enqueue_dma source(%dma_start3A_17 : memref<16xf32, #tpu.memory_space<hbm>>) target(%arg6 : memref<16xf32, #tpu.memory_space<vmem>>) target_semaphore(%run_scoped3A : memref<!tpu.dma_semaphore, #tpu.memory_space<semaphore_mem>>)
      %dma_wait3A = arith.constant 0 : i32
      %dma_wait3A_18 = tpu.memref_slice %arg3[%add3A, %dma_wait3A] : memref<32x16xf32, #tpu.memory_space<hbm>> -> memref<1x16xf32, #tpu.memory_space<hbm>>
      %dma_wait3A_19 = tpu.memref_squeeze %dma_wait3A_18 : memref<1x16xf32, #tpu.memory_space<hbm>> -> memref<16xf32, #tpu.memory_space<hbm>>
      %dma_wait3A_20 = arith.constant 0 : i32
      %dma_wait3A_21 = tpu.memref_slice %arg3[%add3A, %dma_wait3A_20] : memref<32x16xf32, #tpu.memory_space<hbm>> -> memref<1x16xf32, #tpu.memory_space<hbm>>
      %dma_wait3A_22 = tpu.memref_squeeze %dma_wait3A_21 : memref<1x16xf32, #tpu.memory_space<hbm>> -> memref<16xf32, #tpu.memory_space<hbm>>
      tpu.wait_dma2 semaphore(%run_scoped3A : memref<!tpu.dma_semaphore, #tpu.memory_space<semaphore_mem>>) src(%dma_wait3A_22 : memref<16xf32, #tpu.memory_space<hbm>>) dst(%arg6 : memref<16xf32, #tpu.memory_space<vmem>>)
      tpu.yield
    }) : () -> ()
    %broadcast_in_dim3A = arith.constant 0.000000e+00 : f32
    %broadcast_in_dim3A_1 = vector.broadcast %broadcast_in_dim3A : f32 to vector<16xf32>
    %scan3A = arith.constant 0 : i32
    %scan3A_2 = arith.constant 392 : i32
    %scan3A_3 = arith.addi %scan3A, %scan3A_2 : i32
    %scan3A_4 = arith.constant 1 : i32
    scf.for %scan3A_13 = %scan3A to %scan3A_3 step %scan3A_4  : i32 {
      %mul3A_14 = arith.constant 16 : i32
      %mul3A_15 = arith.muli %scan3A_13, %mul3A_14 : i32
      %swap3A = arith.index_cast %mul3A_15 : i32 to index
      %swap3A_16 = tpu.vector_load %arg7[%swap3A] {strides = array<i32>} : memref<6272xf32, #tpu.memory_space<vmem>>, vector<16xf32>,
      tpu.vector_store %arg7[%swap3A], %broadcast_in_dim3A_1 {strides = array<i32>} : memref<6272xf32, #tpu.memory_space<vmem>>, vector<16xf32>,
    }
    %scan3A_5 = arith.constant 392 : i32
    %mul3A_6 = arith.constant 6272 : i32
    %mul3A_7 = arith.muli %arg1, %mul3A_6 : i32
    "tpu.region"() ({
      %run_scoped3A = tpu.sem_alloc : memref<!tpu.dma_semaphore, #tpu.memory_space<semaphore_mem>>
      %dma_start3A = tpu.memref_slice %arg8[%mul3A_7] : memref<100352xf32, #tpu.memory_space<vmem_shared>> -> memref<6272xf32, #tpu.memory_space<vmem_shared>>
      %dma_start3A_13 = tpu.memref_slice %arg8[%mul3A_7] : memref<100352xf32, #tpu.memory_space<vmem_shared>> -> memref<6272xf32, #tpu.memory_space<vmem_shared>>
      tpu.enqueue_dma source(%arg7 : memref<6272xf32, #tpu.memory_space<vmem>>) target(%dma_start3A_13 : memref<6272xf32, #tpu.memory_space<vmem_shared>>) target_semaphore(%run_scoped3A : memref<!tpu.dma_semaphore, #tpu.memory_space<semaphore_mem>>)
      %dma_wait3A = tpu.memref_slice %arg8[%mul3A_7] : memref<100352xf32, #tpu.memory_space<vmem_shared>> -> memref<6272xf32, #tpu.memory_space<vmem_shared>>
      %dma_wait3A_14 = tpu.memref_slice %arg8[%mul3A_7] : memref<100352xf32, #tpu.memory_space<vmem_shared>> -> memref<6272xf32, #tpu.memory_space<vmem_shared>>
      tpu.wait_dma2 semaphore(%run_scoped3A : memref<!tpu.dma_semaphore, #tpu.memory_space<semaphore_mem>>) src(%arg7 : memref<6272xf32, #tpu.memory_space<vmem>>) dst(%dma_wait3A_14 : memref<6272xf32, #tpu.memory_space<vmem_shared>>)
      tpu.yield
    }) : () -> ()
    %barrier3A = arith.constant 0 : index
    tpu.barrier barrier_id(%barrier3A)
    "tpu.region"() ({
      %run_scoped3A = tpu.sem_alloc : memref<!tpu.dma_semaphore, #tpu.memory_space<semaphore_mem>>
      %dma_start3A = arith.constant 0 : i32
      %dma_start3A_13 = tpu.memref_slice %arg8[%dma_start3A] : memref<100352xf32, #tpu.memory_space<vmem_shared>> -> memref<100352xf32, #tpu.memory_space<vmem_shared>>
      tpu.enqueue_indirect_dma source(%arg6 : memref<16xf32, #tpu.memory_space<vmem>>) target(%dma_start3A_13 : memref<100352xf32, #tpu.memory_space<vmem_shared>>) offsets(%arg5 : memref<16xi32, #tpu.memory_space<vmem>>) semaphore(%run_scoped3A : memref<!tpu.dma_semaphore, #tpu.memory_space<semaphore_mem>>) {add = true}
      %dma_wait3A = arith.constant 0 : i32
      %dma_wait3A_14 = tpu.memref_slice %arg8[%dma_wait3A] : memref<100352xf32, #tpu.memory_space<vmem_shared>> -> memref<100352xf32, #tpu.memory_space<vmem_shared>>
      tpu.wait_indirect_dma semaphore(%run_scoped3A : memref<!tpu.dma_semaphore, #tpu.memory_space<semaphore_mem>>) src(%arg6 : memref<16xf32, #tpu.memory_space<vmem>>) dst(%dma_wait3A_14 : memref<100352xf32, #tpu.memory_space<vmem_shared>>)
      tpu.yield
    }) : () -> ()
    %barrier3A_8 = arith.constant 0 : index
    tpu.barrier barrier_id(%barrier3A_8)
    %mul3A_9 = arith.constant 6272 : i32
    %mul3A_10 = arith.muli %arg1, %mul3A_9 : i32
    %mul3A_11 = arith.constant 6272 : i32
    %mul3A_12 = arith.muli %arg1, %mul3A_11 : i32
    "tpu.region"() ({
      %run_scoped3A = tpu.sem_alloc : memref<!tpu.dma_semaphore, #tpu.memory_space<semaphore_mem>>
      %dma_start3A = arith.constant 0 : i32
      %dma_start3A_13 = tpu.memref_slice %arg4[%arg0, %dma_start3A] : memref<2x100352xf32, #tpu.memory_space<hbm>> -> memref<1x100352xf32, #tpu.memory_space<hbm>>
      %dma_start3A_14 = tpu.memref_squeeze %dma_start3A_13 : memref<1x100352xf32, #tpu.memory_space<hbm>> -> memref<100352xf32, #tpu.memory_space<hbm>>
      %dma_start3A_15 = tpu.memref_slice %dma_start3A_14[%mul3A_12] : memref<100352xf32, #tpu.memory_space<hbm>> -> memref<6272xf32, #tpu.memory_space<hbm>>
      %dma_start3A_16 = tpu.memref_slice %arg8[%mul3A_10] : memref<100352xf32, #tpu.memory_space<vmem_shared>> -> memref<6272xf32, #tpu.memory_space<vmem_shared>>
      tpu.enqueue_dma source(%dma_start3A_16 : memref<6272xf32, #tpu.memory_space<vmem_shared>>) target(%dma_start3A_15 : memref<6272xf32, #tpu.memory_space<hbm>>) target_semaphore(%run_scoped3A : memref<!tpu.dma_semaphore, #tpu.memory_space<semaphore_mem>>)
      %dma_wait3A = arith.constant 0 : i32
      %dma_wait3A_17 = tpu.memref_slice %arg4[%arg0, %dma_wait3A] : memref<2x100352xf32, #tpu.memory_space<hbm>> -> memref<1x100352xf32, #tpu.memory_space<hbm>>
      %dma_wait3A_18 = tpu.memref_squeeze %dma_wait3A_17 : memref<1x100352xf32, #tpu.memory_space<hbm>> -> memref<100352xf32, #tpu.memory_space<hbm>>
      %dma_wait3A_19 = tpu.memref_slice %dma_wait3A_18[%mul3A_12] : memref<100352xf32, #tpu.memory_space<hbm>> -> memref<6272xf32, #tpu.memory_space<hbm>>
      %dma_wait3A_20 = tpu.memref_slice %arg8[%mul3A_10] : memref<100352xf32, #tpu.memory_space<vmem_shared>> -> memref<6272xf32, #tpu.memory_space<vmem_shared>>
      tpu.wait_dma2 semaphore(%run_scoped3A : memref<!tpu.dma_semaphore, #tpu.memory_space<semaphore_mem>>) src(%dma_wait3A_20 : memref<6272xf32, #tpu.memory_space<vmem_shared>>) dst(%dma_wait3A_19 : memref<6272xf32, #tpu.memory_space<hbm>>)
      tpu.yield
    }) : () -> ()
    return
  }
}

module attributes {stable_mosaic.version = 14 : i64} {
  func.func @body(%arg0: i32, %arg1: memref<1024x2048xf32, #tpu.memory_space<vmem>>, %arg2: memref<2x2048xf32, #tpu.memory_space<vmem>>, %arg3: memref<1xf32, #tpu.memory_space<smem>>, %arg4: memref<1024xi32, #tpu.memory_space<vmem>>, %arg5: memref<1024x128xf32, #tpu.memory_space<vmem>>) attributes {dimension_semantics = [#tpu.dimension_semantics<arbitrary>], iteration_bounds = array<i64: 49>, scalar_prefetch = 0 : i64, scratch_operands = 1 : i64, tpu.core_type = #tpu.core_type<tc>, window_params = [{transform_indices = @transform_0, window_bounds = array<i64: 1024, 2048>}, {transform_indices = @transform_1, window_bounds = array<i64: 2, 2048>}, {transform_indices = @transform_2, window_bounds = array<i64: 1>}, {pipeline_mode = #tpu.pipeline_mode<synchronous>, transform_indices = @transform_3, window_bounds = array<i64: 1024>}]} {
    %get3A = arith.constant 0 : index
    %get3A_0 = arith.constant 0 : index
    %get3A_1 = vector.load %arg2[%get3A, %get3A_0] : memref<2x2048xf32, #tpu.memory_space<vmem>>, vector<1x2048xf32>
    %get3A_2 = arith.constant 1 : index
    %get3A_3 = arith.constant 0 : index
    %get3A_4 = vector.load %arg2[%get3A_2, %get3A_3] : memref<2x2048xf32, #tpu.memory_space<vmem>>, vector<1x2048xf32>
    %add3A = arith.addf %get3A_1, %get3A_4 : vector<1x2048xf32>
    %eq3A = arith.constant 0 : i32
    %eq3A_5 = arith.cmpi eq, %arg0, %eq3A : i32
    %convert_element_type3A = arith.extui %eq3A_5 : i1 to i32
    %cond3A = arith.constant 0 : i32
    %cond3A_6 = arith.cmpi ne, %convert_element_type3A, %cond3A : i32
    scf.if %cond3A_6 {
      %broadcast_in_dim3A = arith.constant 0.000000e+00 : f32
      %broadcast_in_dim3A_16 = vector.broadcast %broadcast_in_dim3A : f32 to vector<1024x128xf32>
      %swap3A = arith.constant 0 : index
      %swap3A_17 = arith.constant 0 : index
      %swap3A_18 = vector.load %arg5[%swap3A, %swap3A_17] : memref<1024x128xf32, #tpu.memory_space<vmem>>, vector<1024x128xf32>
      tpu.vector_store %arg5[%swap3A, %swap3A_17], %broadcast_in_dim3A_16 {strides = array<i32>} : memref<1024x128xf32, #tpu.memory_space<vmem>>, vector<1024x128xf32>,
    } else {
    }
    %lt3A = arith.constant 48 : i32
    %lt3A_7 = arith.cmpi slt, %arg0, %lt3A : i32
    %convert_element_type3A_8 = arith.extui %lt3A_7 : i1 to i32
    %cond3A_9 = arith.constant 0 : i32
    %cond3A_10 = arith.cmpi ne, %convert_element_type3A_8, %cond3A_9 : i32
    scf.if %cond3A_10 {
      %get3A_16 = arith.constant 0 : index
      %get3A_17 = arith.constant 0 : index
      %get3A_18 = vector.load %arg1[%get3A_16, %get3A_17] : memref<1024x2048xf32, #tpu.memory_space<vmem>>, vector<1024x2048xf32>
      %slice3A = vector.extract_strided_slice %get3A_18 {offsets = [0, 0], sizes = [1024, 128], strides = [1, 1]} : vector<1024x2048xf32> to vector<1024x128xf32>
      %slice3A_19 = vector.extract_strided_slice %add3A {offsets = [0, 0], sizes = [1, 128], strides = [1, 1]} : vector<1x2048xf32> to vector<1x128xf32>
      %mul3A = vector.broadcast %slice3A_19 : vector<1x128xf32> to vector<1024x128xf32>
      %mul3A_20 = arith.mulf %slice3A, %mul3A : vector<1024x128xf32>
      %slice3A_21 = vector.extract_strided_slice %get3A_18 {offsets = [0, 128], sizes = [1024, 128], strides = [1, 1]} : vector<1024x2048xf32> to vector<1024x128xf32>
      %slice3A_22 = vector.extract_strided_slice %add3A {offsets = [0, 128], sizes = [1, 128], strides = [1, 1]} : vector<1x2048xf32> to vector<1x128xf32>
      %mul3A_23 = vector.broadcast %slice3A_22 : vector<1x128xf32> to vector<1024x128xf32>
      %mul3A_24 = arith.mulf %slice3A_21, %mul3A_23 : vector<1024x128xf32>
      %add3A_25 = arith.addf %mul3A_20, %mul3A_24 : vector<1024x128xf32>
      %slice3A_26 = vector.extract_strided_slice %get3A_18 {offsets = [0, 256], sizes = [1024, 128], strides = [1, 1]} : vector<1024x2048xf32> to vector<1024x128xf32>
      %slice3A_27 = vector.extract_strided_slice %add3A {offsets = [0, 256], sizes = [1, 128], strides = [1, 1]} : vector<1x2048xf32> to vector<1x128xf32>
      %mul3A_28 = vector.broadcast %slice3A_27 : vector<1x128xf32> to vector<1024x128xf32>
      %mul3A_29 = arith.mulf %slice3A_26, %mul3A_28 : vector<1024x128xf32>
      %add3A_30 = arith.addf %add3A_25, %mul3A_29 : vector<1024x128xf32>
      %slice3A_31 = vector.extract_strided_slice %get3A_18 {offsets = [0, 384], sizes = [1024, 128], strides = [1, 1]} : vector<1024x2048xf32> to vector<1024x128xf32>
      %slice3A_32 = vector.extract_strided_slice %add3A {offsets = [0, 384], sizes = [1, 128], strides = [1, 1]} : vector<1x2048xf32> to vector<1x128xf32>
      %mul3A_33 = vector.broadcast %slice3A_32 : vector<1x128xf32> to vector<1024x128xf32>
      %mul3A_34 = arith.mulf %slice3A_31, %mul3A_33 : vector<1024x128xf32>
      %add3A_35 = arith.addf %add3A_30, %mul3A_34 : vector<1024x128xf32>
      %slice3A_36 = vector.extract_strided_slice %get3A_18 {offsets = [0, 512], sizes = [1024, 128], strides = [1, 1]} : vector<1024x2048xf32> to vector<1024x128xf32>
      %slice3A_37 = vector.extract_strided_slice %add3A {offsets = [0, 512], sizes = [1, 128], strides = [1, 1]} : vector<1x2048xf32> to vector<1x128xf32>
      %mul3A_38 = vector.broadcast %slice3A_37 : vector<1x128xf32> to vector<1024x128xf32>
      %mul3A_39 = arith.mulf %slice3A_36, %mul3A_38 : vector<1024x128xf32>
      %add3A_40 = arith.addf %add3A_35, %mul3A_39 : vector<1024x128xf32>
      %slice3A_41 = vector.extract_strided_slice %get3A_18 {offsets = [0, 640], sizes = [1024, 128], strides = [1, 1]} : vector<1024x2048xf32> to vector<1024x128xf32>
      %slice3A_42 = vector.extract_strided_slice %add3A {offsets = [0, 640], sizes = [1, 128], strides = [1, 1]} : vector<1x2048xf32> to vector<1x128xf32>
      %mul3A_43 = vector.broadcast %slice3A_42 : vector<1x128xf32> to vector<1024x128xf32>
      %mul3A_44 = arith.mulf %slice3A_41, %mul3A_43 : vector<1024x128xf32>
      %add3A_45 = arith.addf %add3A_40, %mul3A_44 : vector<1024x128xf32>
      %slice3A_46 = vector.extract_strided_slice %get3A_18 {offsets = [0, 768], sizes = [1024, 128], strides = [1, 1]} : vector<1024x2048xf32> to vector<1024x128xf32>
      %slice3A_47 = vector.extract_strided_slice %add3A {offsets = [0, 768], sizes = [1, 128], strides = [1, 1]} : vector<1x2048xf32> to vector<1x128xf32>
      %mul3A_48 = vector.broadcast %slice3A_47 : vector<1x128xf32> to vector<1024x128xf32>
      %mul3A_49 = arith.mulf %slice3A_46, %mul3A_48 : vector<1024x128xf32>
      %add3A_50 = arith.addf %add3A_45, %mul3A_49 : vector<1024x128xf32>
      %slice3A_51 = vector.extract_strided_slice %get3A_18 {offsets = [0, 896], sizes = [1024, 128], strides = [1, 1]} : vector<1024x2048xf32> to vector<1024x128xf32>
      %slice3A_52 = vector.extract_strided_slice %add3A {offsets = [0, 896], sizes = [1, 128], strides = [1, 1]} : vector<1x2048xf32> to vector<1x128xf32>
      %mul3A_53 = vector.broadcast %slice3A_52 : vector<1x128xf32> to vector<1024x128xf32>
      %mul3A_54 = arith.mulf %slice3A_51, %mul3A_53 : vector<1024x128xf32>
      %add3A_55 = arith.addf %add3A_50, %mul3A_54 : vector<1024x128xf32>
      %slice3A_56 = vector.extract_strided_slice %get3A_18 {offsets = [0, 1024], sizes = [1024, 128], strides = [1, 1]} : vector<1024x2048xf32> to vector<1024x128xf32>
      %slice3A_57 = vector.extract_strided_slice %add3A {offsets = [0, 1024], sizes = [1, 128], strides = [1, 1]} : vector<1x2048xf32> to vector<1x128xf32>
      %mul3A_58 = vector.broadcast %slice3A_57 : vector<1x128xf32> to vector<1024x128xf32>
      %mul3A_59 = arith.mulf %slice3A_56, %mul3A_58 : vector<1024x128xf32>
      %add3A_60 = arith.addf %add3A_55, %mul3A_59 : vector<1024x128xf32>
      %slice3A_61 = vector.extract_strided_slice %get3A_18 {offsets = [0, 1152], sizes = [1024, 128], strides = [1, 1]} : vector<1024x2048xf32> to vector<1024x128xf32>
      %slice3A_62 = vector.extract_strided_slice %add3A {offsets = [0, 1152], sizes = [1, 128], strides = [1, 1]} : vector<1x2048xf32> to vector<1x128xf32>
      %mul3A_63 = vector.broadcast %slice3A_62 : vector<1x128xf32> to vector<1024x128xf32>
      %mul3A_64 = arith.mulf %slice3A_61, %mul3A_63 : vector<1024x128xf32>
      %add3A_65 = arith.addf %add3A_60, %mul3A_64 : vector<1024x128xf32>
      %slice3A_66 = vector.extract_strided_slice %get3A_18 {offsets = [0, 1280], sizes = [1024, 128], strides = [1, 1]} : vector<1024x2048xf32> to vector<1024x128xf32>
      %slice3A_67 = vector.extract_strided_slice %add3A {offsets = [0, 1280], sizes = [1, 128], strides = [1, 1]} : vector<1x2048xf32> to vector<1x128xf32>
      %mul3A_68 = vector.broadcast %slice3A_67 : vector<1x128xf32> to vector<1024x128xf32>
      %mul3A_69 = arith.mulf %slice3A_66, %mul3A_68 : vector<1024x128xf32>
      %add3A_70 = arith.addf %add3A_65, %mul3A_69 : vector<1024x128xf32>
      %slice3A_71 = vector.extract_strided_slice %get3A_18 {offsets = [0, 1408], sizes = [1024, 128], strides = [1, 1]} : vector<1024x2048xf32> to vector<1024x128xf32>
      %slice3A_72 = vector.extract_strided_slice %add3A {offsets = [0, 1408], sizes = [1, 128], strides = [1, 1]} : vector<1x2048xf32> to vector<1x128xf32>
      %mul3A_73 = vector.broadcast %slice3A_72 : vector<1x128xf32> to vector<1024x128xf32>
      %mul3A_74 = arith.mulf %slice3A_71, %mul3A_73 : vector<1024x128xf32>
      %add3A_75 = arith.addf %add3A_70, %mul3A_74 : vector<1024x128xf32>
      %slice3A_76 = vector.extract_strided_slice %get3A_18 {offsets = [0, 1536], sizes = [1024, 128], strides = [1, 1]} : vector<1024x2048xf32> to vector<1024x128xf32>
      %slice3A_77 = vector.extract_strided_slice %add3A {offsets = [0, 1536], sizes = [1, 128], strides = [1, 1]} : vector<1x2048xf32> to vector<1x128xf32>
      %mul3A_78 = vector.broadcast %slice3A_77 : vector<1x128xf32> to vector<1024x128xf32>
      %mul3A_79 = arith.mulf %slice3A_76, %mul3A_78 : vector<1024x128xf32>
      %add3A_80 = arith.addf %add3A_75, %mul3A_79 : vector<1024x128xf32>
      %slice3A_81 = vector.extract_strided_slice %get3A_18 {offsets = [0, 1664], sizes = [1024, 128], strides = [1, 1]} : vector<1024x2048xf32> to vector<1024x128xf32>
      %slice3A_82 = vector.extract_strided_slice %add3A {offsets = [0, 1664], sizes = [1, 128], strides = [1, 1]} : vector<1x2048xf32> to vector<1x128xf32>
      %mul3A_83 = vector.broadcast %slice3A_82 : vector<1x128xf32> to vector<1024x128xf32>
      %mul3A_84 = arith.mulf %slice3A_81, %mul3A_83 : vector<1024x128xf32>
      %add3A_85 = arith.addf %add3A_80, %mul3A_84 : vector<1024x128xf32>
      %slice3A_86 = vector.extract_strided_slice %get3A_18 {offsets = [0, 1792], sizes = [1024, 128], strides = [1, 1]} : vector<1024x2048xf32> to vector<1024x128xf32>
      %slice3A_87 = vector.extract_strided_slice %add3A {offsets = [0, 1792], sizes = [1, 128], strides = [1, 1]} : vector<1x2048xf32> to vector<1x128xf32>
      %mul3A_88 = vector.broadcast %slice3A_87 : vector<1x128xf32> to vector<1024x128xf32>
      %mul3A_89 = arith.mulf %slice3A_86, %mul3A_88 : vector<1024x128xf32>
      %add3A_90 = arith.addf %add3A_85, %mul3A_89 : vector<1024x128xf32>
      %slice3A_91 = vector.extract_strided_slice %get3A_18 {offsets = [0, 1920], sizes = [1024, 128], strides = [1, 1]} : vector<1024x2048xf32> to vector<1024x128xf32>
      %slice3A_92 = vector.extract_strided_slice %add3A {offsets = [0, 1920], sizes = [1, 128], strides = [1, 1]} : vector<1x2048xf32> to vector<1x128xf32>
      %mul3A_93 = vector.broadcast %slice3A_92 : vector<1x128xf32> to vector<1024x128xf32>
      %mul3A_94 = arith.mulf %slice3A_91, %mul3A_93 : vector<1024x128xf32>
      %add3A_95 = arith.addf %add3A_90, %mul3A_94 : vector<1024x128xf32>
      %get3A_96 = arith.constant 0 : index
      %get3A_97 = arith.constant 0 : index
      %get3A_98 = vector.load %arg5[%get3A_96, %get3A_97] : memref<1024x128xf32, #tpu.memory_space<vmem>>, vector<1024x128xf32>
      %add3A_99 = arith.addf %get3A_98, %add3A_95 : vector<1024x128xf32>
      %swap3A = arith.constant 0 : index
      %swap3A_100 = arith.constant 0 : index
      %swap3A_101 = vector.load %arg5[%swap3A, %swap3A_100] : memref<1024x128xf32, #tpu.memory_space<vmem>>, vector<1024x128xf32>
      tpu.vector_store %arg5[%swap3A, %swap3A_100], %add3A_99 {strides = array<i32>} : memref<1024x128xf32, #tpu.memory_space<vmem>>, vector<1024x128xf32>,
    } else {
    }
    %eq3A_11 = arith.constant 48 : i32
    %eq3A_12 = arith.cmpi eq, %arg0, %eq3A_11 : i32
    %convert_element_type3A_13 = arith.extui %eq3A_12 : i1 to i32
    %cond3A_14 = arith.constant 0 : i32
    %cond3A_15 = arith.cmpi ne, %convert_element_type3A_13, %cond3A_14 : i32
    scf.if %cond3A_15 {
      %iota3A = tpu.iota {dimensions = array<i32: 1>} : vector<1024x2048xi32>
      %lt3A_16 = arith.constant 1696 : i32
      %lt3A_17 = vector.broadcast %lt3A_16 : i32 to vector<1024x2048xi32>
      %lt3A_18 = arith.cmpi slt, %iota3A, %lt3A_17 : vector<1024x2048xi32>
      %get3A_19 = arith.constant 0 : index
      %get3A_20 = arith.constant 0 : index
      %get3A_21 = vector.load %arg1[%get3A_19, %get3A_20] : memref<1024x2048xf32, #tpu.memory_space<vmem>>, vector<1024x2048xf32>
      %jit3A = arith.constant 0.000000e+00 : f32
      %broadcast_in_dim3A = vector.broadcast %jit3A : f32 to vector<1024x2048xf32>
      %select_n3A = arith.select %lt3A_18, %get3A_21, %broadcast_in_dim3A : vector<1024x2048xi1>, vector<1024x2048xf32>
      %slice3A = vector.extract_strided_slice %select_n3A {offsets = [0, 0], sizes = [1024, 128], strides = [1, 1]} : vector<1024x2048xf32> to vector<1024x128xf32>
      %slice3A_22 = vector.extract_strided_slice %add3A {offsets = [0, 0], sizes = [1, 128], strides = [1, 1]} : vector<1x2048xf32> to vector<1x128xf32>
      %mul3A = vector.broadcast %slice3A_22 : vector<1x128xf32> to vector<1024x128xf32>
      %mul3A_23 = arith.mulf %slice3A, %mul3A : vector<1024x128xf32>
      %slice3A_24 = vector.extract_strided_slice %select_n3A {offsets = [0, 128], sizes = [1024, 128], strides = [1, 1]} : vector<1024x2048xf32> to vector<1024x128xf32>
      %slice3A_25 = vector.extract_strided_slice %add3A {offsets = [0, 128], sizes = [1, 128], strides = [1, 1]} : vector<1x2048xf32> to vector<1x128xf32>
      %mul3A_26 = vector.broadcast %slice3A_25 : vector<1x128xf32> to vector<1024x128xf32>
      %mul3A_27 = arith.mulf %slice3A_24, %mul3A_26 : vector<1024x128xf32>
      %add3A_28 = arith.addf %mul3A_23, %mul3A_27 : vector<1024x128xf32>
      %slice3A_29 = vector.extract_strided_slice %select_n3A {offsets = [0, 256], sizes = [1024, 128], strides = [1, 1]} : vector<1024x2048xf32> to vector<1024x128xf32>
      %slice3A_30 = vector.extract_strided_slice %add3A {offsets = [0, 256], sizes = [1, 128], strides = [1, 1]} : vector<1x2048xf32> to vector<1x128xf32>
      %mul3A_31 = vector.broadcast %slice3A_30 : vector<1x128xf32> to vector<1024x128xf32>
      %mul3A_32 = arith.mulf %slice3A_29, %mul3A_31 : vector<1024x128xf32>
      %add3A_33 = arith.addf %add3A_28, %mul3A_32 : vector<1024x128xf32>
      %slice3A_34 = vector.extract_strided_slice %select_n3A {offsets = [0, 384], sizes = [1024, 128], strides = [1, 1]} : vector<1024x2048xf32> to vector<1024x128xf32>
      %slice3A_35 = vector.extract_strided_slice %add3A {offsets = [0, 384], sizes = [1, 128], strides = [1, 1]} : vector<1x2048xf32> to vector<1x128xf32>
      %mul3A_36 = vector.broadcast %slice3A_35 : vector<1x128xf32> to vector<1024x128xf32>
      %mul3A_37 = arith.mulf %slice3A_34, %mul3A_36 : vector<1024x128xf32>
      %add3A_38 = arith.addf %add3A_33, %mul3A_37 : vector<1024x128xf32>
      %slice3A_39 = vector.extract_strided_slice %select_n3A {offsets = [0, 512], sizes = [1024, 128], strides = [1, 1]} : vector<1024x2048xf32> to vector<1024x128xf32>
      %slice3A_40 = vector.extract_strided_slice %add3A {offsets = [0, 512], sizes = [1, 128], strides = [1, 1]} : vector<1x2048xf32> to vector<1x128xf32>
      %mul3A_41 = vector.broadcast %slice3A_40 : vector<1x128xf32> to vector<1024x128xf32>
      %mul3A_42 = arith.mulf %slice3A_39, %mul3A_41 : vector<1024x128xf32>
      %add3A_43 = arith.addf %add3A_38, %mul3A_42 : vector<1024x128xf32>
      %slice3A_44 = vector.extract_strided_slice %select_n3A {offsets = [0, 640], sizes = [1024, 128], strides = [1, 1]} : vector<1024x2048xf32> to vector<1024x128xf32>
      %slice3A_45 = vector.extract_strided_slice %add3A {offsets = [0, 640], sizes = [1, 128], strides = [1, 1]} : vector<1x2048xf32> to vector<1x128xf32>
      %mul3A_46 = vector.broadcast %slice3A_45 : vector<1x128xf32> to vector<1024x128xf32>
      %mul3A_47 = arith.mulf %slice3A_44, %mul3A_46 : vector<1024x128xf32>
      %add3A_48 = arith.addf %add3A_43, %mul3A_47 : vector<1024x128xf32>
      %slice3A_49 = vector.extract_strided_slice %select_n3A {offsets = [0, 768], sizes = [1024, 128], strides = [1, 1]} : vector<1024x2048xf32> to vector<1024x128xf32>
      %slice3A_50 = vector.extract_strided_slice %add3A {offsets = [0, 768], sizes = [1, 128], strides = [1, 1]} : vector<1x2048xf32> to vector<1x128xf32>
      %mul3A_51 = vector.broadcast %slice3A_50 : vector<1x128xf32> to vector<1024x128xf32>
      %mul3A_52 = arith.mulf %slice3A_49, %mul3A_51 : vector<1024x128xf32>
      %add3A_53 = arith.addf %add3A_48, %mul3A_52 : vector<1024x128xf32>
      %slice3A_54 = vector.extract_strided_slice %select_n3A {offsets = [0, 896], sizes = [1024, 128], strides = [1, 1]} : vector<1024x2048xf32> to vector<1024x128xf32>
      %slice3A_55 = vector.extract_strided_slice %add3A {offsets = [0, 896], sizes = [1, 128], strides = [1, 1]} : vector<1x2048xf32> to vector<1x128xf32>
      %mul3A_56 = vector.broadcast %slice3A_55 : vector<1x128xf32> to vector<1024x128xf32>
      %mul3A_57 = arith.mulf %slice3A_54, %mul3A_56 : vector<1024x128xf32>
      %add3A_58 = arith.addf %add3A_53, %mul3A_57 : vector<1024x128xf32>
      %slice3A_59 = vector.extract_strided_slice %select_n3A {offsets = [0, 1024], sizes = [1024, 128], strides = [1, 1]} : vector<1024x2048xf32> to vector<1024x128xf32>
      %slice3A_60 = vector.extract_strided_slice %add3A {offsets = [0, 1024], sizes = [1, 128], strides = [1, 1]} : vector<1x2048xf32> to vector<1x128xf32>
      %mul3A_61 = vector.broadcast %slice3A_60 : vector<1x128xf32> to vector<1024x128xf32>
      %mul3A_62 = arith.mulf %slice3A_59, %mul3A_61 : vector<1024x128xf32>
      %add3A_63 = arith.addf %add3A_58, %mul3A_62 : vector<1024x128xf32>
      %slice3A_64 = vector.extract_strided_slice %select_n3A {offsets = [0, 1152], sizes = [1024, 128], strides = [1, 1]} : vector<1024x2048xf32> to vector<1024x128xf32>
      %slice3A_65 = vector.extract_strided_slice %add3A {offsets = [0, 1152], sizes = [1, 128], strides = [1, 1]} : vector<1x2048xf32> to vector<1x128xf32>
      %mul3A_66 = vector.broadcast %slice3A_65 : vector<1x128xf32> to vector<1024x128xf32>
      %mul3A_67 = arith.mulf %slice3A_64, %mul3A_66 : vector<1024x128xf32>
      %add3A_68 = arith.addf %add3A_63, %mul3A_67 : vector<1024x128xf32>
      %slice3A_69 = vector.extract_strided_slice %select_n3A {offsets = [0, 1280], sizes = [1024, 128], strides = [1, 1]} : vector<1024x2048xf32> to vector<1024x128xf32>
      %slice3A_70 = vector.extract_strided_slice %add3A {offsets = [0, 1280], sizes = [1, 128], strides = [1, 1]} : vector<1x2048xf32> to vector<1x128xf32>
      %mul3A_71 = vector.broadcast %slice3A_70 : vector<1x128xf32> to vector<1024x128xf32>
      %mul3A_72 = arith.mulf %slice3A_69, %mul3A_71 : vector<1024x128xf32>
      %add3A_73 = arith.addf %add3A_68, %mul3A_72 : vector<1024x128xf32>
      %slice3A_74 = vector.extract_strided_slice %select_n3A {offsets = [0, 1408], sizes = [1024, 128], strides = [1, 1]} : vector<1024x2048xf32> to vector<1024x128xf32>
      %slice3A_75 = vector.extract_strided_slice %add3A {offsets = [0, 1408], sizes = [1, 128], strides = [1, 1]} : vector<1x2048xf32> to vector<1x128xf32>
      %mul3A_76 = vector.broadcast %slice3A_75 : vector<1x128xf32> to vector<1024x128xf32>
      %mul3A_77 = arith.mulf %slice3A_74, %mul3A_76 : vector<1024x128xf32>
      %add3A_78 = arith.addf %add3A_73, %mul3A_77 : vector<1024x128xf32>
      %slice3A_79 = vector.extract_strided_slice %select_n3A {offsets = [0, 1536], sizes = [1024, 128], strides = [1, 1]} : vector<1024x2048xf32> to vector<1024x128xf32>
      %slice3A_80 = vector.extract_strided_slice %add3A {offsets = [0, 1536], sizes = [1, 128], strides = [1, 1]} : vector<1x2048xf32> to vector<1x128xf32>
      %mul3A_81 = vector.broadcast %slice3A_80 : vector<1x128xf32> to vector<1024x128xf32>
      %mul3A_82 = arith.mulf %slice3A_79, %mul3A_81 : vector<1024x128xf32>
      %add3A_83 = arith.addf %add3A_78, %mul3A_82 : vector<1024x128xf32>
      %slice3A_84 = vector.extract_strided_slice %select_n3A {offsets = [0, 1664], sizes = [1024, 128], strides = [1, 1]} : vector<1024x2048xf32> to vector<1024x128xf32>
      %slice3A_85 = vector.extract_strided_slice %add3A {offsets = [0, 1664], sizes = [1, 128], strides = [1, 1]} : vector<1x2048xf32> to vector<1x128xf32>
      %mul3A_86 = vector.broadcast %slice3A_85 : vector<1x128xf32> to vector<1024x128xf32>
      %mul3A_87 = arith.mulf %slice3A_84, %mul3A_86 : vector<1024x128xf32>
      %add3A_88 = arith.addf %add3A_83, %mul3A_87 : vector<1024x128xf32>
      %slice3A_89 = vector.extract_strided_slice %select_n3A {offsets = [0, 1792], sizes = [1024, 128], strides = [1, 1]} : vector<1024x2048xf32> to vector<1024x128xf32>
      %slice3A_90 = vector.extract_strided_slice %add3A {offsets = [0, 1792], sizes = [1, 128], strides = [1, 1]} : vector<1x2048xf32> to vector<1x128xf32>
      %mul3A_91 = vector.broadcast %slice3A_90 : vector<1x128xf32> to vector<1024x128xf32>
      %mul3A_92 = arith.mulf %slice3A_89, %mul3A_91 : vector<1024x128xf32>
      %add3A_93 = arith.addf %add3A_88, %mul3A_92 : vector<1024x128xf32>
      %slice3A_94 = vector.extract_strided_slice %select_n3A {offsets = [0, 1920], sizes = [1024, 128], strides = [1, 1]} : vector<1024x2048xf32> to vector<1024x128xf32>
      %slice3A_95 = vector.extract_strided_slice %add3A {offsets = [0, 1920], sizes = [1, 128], strides = [1, 1]} : vector<1x2048xf32> to vector<1x128xf32>
      %mul3A_96 = vector.broadcast %slice3A_95 : vector<1x128xf32> to vector<1024x128xf32>
      %mul3A_97 = arith.mulf %slice3A_94, %mul3A_96 : vector<1024x128xf32>
      %add3A_98 = arith.addf %add3A_93, %mul3A_97 : vector<1024x128xf32>
      %get3A_99 = arith.constant 0 : index
      %get3A_100 = arith.constant 0 : index
      %get3A_101 = vector.load %arg5[%get3A_99, %get3A_100] : memref<1024x128xf32, #tpu.memory_space<vmem>>, vector<1024x128xf32>
      %add3A_102 = arith.addf %get3A_101, %add3A_98 : vector<1024x128xf32>
      %swap3A = arith.constant 0 : index
      %swap3A_103 = arith.constant 0 : index
      %swap3A_104 = vector.load %arg5[%swap3A, %swap3A_103] : memref<1024x128xf32, #tpu.memory_space<vmem>>, vector<1024x128xf32>
      tpu.vector_store %arg5[%swap3A, %swap3A_103], %add3A_102 {strides = array<i32>} : memref<1024x128xf32, #tpu.memory_space<vmem>>, vector<1024x128xf32>,
      %get3A_105 = arith.constant 0 : index
      %get3A_106 = arith.constant 0 : index
      %get3A_107 = vector.load %arg5[%get3A_105, %get3A_106] : memref<1024x128xf32, #tpu.memory_space<vmem>>, vector<1024x128xf32>
      %reduce_sum3A = arith.constant dense<0.000000e+00> : vector<1024xf32>
      %reduce_sum3A_108 = vector.multi_reduction <add>, %get3A_107, %reduce_sum3A [1] : vector<1024x128xf32> to vector<1024xf32>
      %get3A_109 = arith.constant 0 : index
      %get3A_110 = memref.load %arg3[%get3A_109] : memref<1xf32, #tpu.memory_space<smem>>
      %le3A = vector.broadcast %get3A_110 : f32 to vector<1024xf32>
      %le3A_111 = arith.cmpf ole, %reduce_sum3A_108, %le3A : vector<1024xf32>
      %convert_element_type3A_112 = arith.extui %le3A_111 : vector<1024xi1> to vector<1024xi32>
      %swap3A_113 = arith.constant 0 : index
      %swap3A_114 = vector.load %arg4[%swap3A_113] : memref<1024xi32, #tpu.memory_space<vmem>>, vector<1024xi32>
      tpu.vector_store %arg4[%swap3A_113], %convert_element_type3A_112 {strides = array<i32>} : memref<1024xi32, #tpu.memory_space<vmem>>, vector<1024xi32>,
    } else {
    }
    return
  }
  func.func @transform_0(%arg0: i32) -> (i32, i32) {
    %c0_i32 = arith.constant 0 : i32
    %c0_i32_0 = arith.constant 0 : i32
    return %c0_i32, %arg0 : i32, i32
  }
  func.func @transform_1(%arg0: i32) -> (i32, i32) {
    %c0_i32 = arith.constant 0 : i32
    %c0_i32_0 = arith.constant 0 : i32
    return %c0_i32, %arg0 : i32, i32
  }
  func.func @transform_2(%arg0: i32) -> i32 {
    %c0_i32 = arith.constant 0 : i32
    %c0_i32_0 = arith.constant 0 : i32
    return %c0_i32 : i32
  }
  func.func @transform_3(%arg0: i32) -> i32 {
    %c0_i32 = arith.constant 0 : i32
    %c0_i32_0 = arith.constant 0 : i32
    return %c0_i32 : i32
  }
}

</mosaic_0001>

<sc_bundles>
// kernel: kernel.4.cloned.1.call-start
scs
__scs_entry_jumppad:
0x0: {  	(pc) =	sbr.rel $0x88, $3  }
0x1: {  	(tag) =	ssettag $0x0;
	lr =	simm.s32 $0x1  }
0x2: {  	[smem:$0x3F9D] =	sst lr;
	_ =	strace $0xD0000000  }
0x3: {  	_ = 	snop  }
0x4: {  	_ = 	snop  }
0x5: {  	_ = 	snop  }
0x6: {  	_ = 	snop  }
0x7: {  	_ = 	snop  }
__scs_overlays_trampoline_lowered:
0x8: {  	[smem:$0x3FAC] =	sst s0  }
0x9: {  	[smem:$0x3FAD] =	sst s1  }
0xa: {  	[smem:$0x3FAE] =	sst s2  }
0xb: {  	[smem:$0x3FAF] =	sst s3  }
0xc: {  	[smem:$0x3FB0] =	sst s4  }
0xd: {  	[smem:$0x3FB1] =	sst s5  }
0xe: {  	[smem:$0x3FB2] =	sst s6  }
0xf: {  	[smem:$0x3FB3] =	sst s7  }
0x10: {  	[smem:$0x3FB4] =	sst s8  }
0x11: {  	[smem:$0x3FB5] =	sst s9;
	s0 =	simm.s32 @!p0 $0x0  }
0x12: {  	s1 =	sld [smem:$0x3F9B];
	s0 =	simm.s32 @p0 $0x1  }
0x13: {  	[smem:$0x3FB6] =	sst s0;
	s0 =	simm.s32 @!p1 $0x0  }
0x14: {  	s2 =	sld [smem:$0x3F9A];
	s0 =	simm.s32 @p1 $0x1  }
0x15: {  	[smem:$0x3FB7] =	sst s0;
	s0 =	simm.s32 @!p2 $0x0  }
0x16: {  	s3 =	sld [smem:$0x3FDB];
	s0 =	simm.s32 @p2 $0x1  }
0x17: {  	s4 =	simm.s32 $0x1BF5;
	[smem:$0x3FB9] =	sst s0  }
0x18: {  	s0 =	sld [smem:$0x3F9C];
	_ =	swait.ge [sflag:s4], $0x0  }
0x19: {  	s7 =	sld [smem:$0x3F9D]  }
0x1a: {  	s8 =	sadd.s32 $0xFFFFE003, lr  }
0x1b: {  	s9 =	sadd.s32 $0xFFFFFEF7, lr;
	s5 =	simm.s32 $0xFFFFFFFF;
	p2 =	slt.u32 s8, $0xFFFFF086  }
0x1c: {  	p1 =	slt.u32 s9, $0xF7A;
	s5 =	simm.s32 @!p2 $0x0  }
0x1d: {  	s5 =	simm.s32 @p1 $0x1;
	p0 =	seq.s32 s7, s2  }
0x1e: {  	s7 =	smul.u32 @!p0 $0xF7A, s2;
	p2 =	seq.s32 @!p0 s5, $0x0  }
0x1f: {  	s9 =	smul.u32 $0xF7A, s1;
	s8 =	simm.s32 @!p0 $0x1BF5;
	p2 =	por !p2, p0  }
0x20: {  	[sflag:s8] =	ssyncset.s32 @!p0 $0xFFFFF086;
	s6 =	sadd.s32 @!p0 s3, s7;
	s7 =	simm.s32 @!p0 $0x108  }
0x21: {  	s3 =	sadd.s32 s3, s9;
	s6 =	sadd.s32 @!p0 $0x88, s6;
	s7 =	simm.s32 @p2 $0x1082  }
0x22: {  	[simem:s7], [sflag:s8] =	dma.local @!p0 [hbm:s6], $0xF7A  }
0x23: {  	s9 =	sor.u32 $0xD0000000, s2;
	s6 =	simm.s32 $0x108;
	_ =	swait.ge @!p0 [sflag:s8], $0x0  }
0x24: {  	s3 =	sadd.s32 $0x88, s3;
	s6 =	simm.s32 @!p1 $0x1082;
	[sflag:s4] =	ssyncset.s32 $0xFFFFF086  }
0x25: {  	[simem:s6], [sflag:s4] =	dma.local [hbm:s3], $0xF7A  }
0x26: {  	[smem:$0x3F9D] =	sst s1;
	(tag) =	ssettag s2;
	_ =	strace s9  }
0x27: {  	s1 =	sld [smem:$0x3FAD]  }
0x28: {  	s2 =	sld [smem:$0x3FAE]  }
0x29: {  	s4 =	sld [smem:$0x3FB0]  }
0x2a: {  	p0 =	seq.s32 s5, $0x0;
	s5 =	sld [smem:$0x3FB1]  }
0x2b: {  	s6 =	sld [smem:$0x3FB2]  }
0x2c: {  	s7 =	sld [smem:$0x3FB3]  }
0x2d: {  	s3 =	simm.s32 $0x108;
	s8 =	sld [smem:$0x3FB4]  }
0x2e: {  	s3 =	simm.s32 @!p0 $0x1082;
	s9 =	sld [smem:$0x3FB5]  }
0x2f: {  	lr =	sadd.s32 s0, s3;
	s0 =	sld [smem:$0x3FAC]  }
0x30: {  	s3 =	sld [smem:$0x3FAF]  }
0x31: {  	[smem:$0x3FB8] =	sst s10  }
0x32: {  	s10 =	sld [smem:$0x3FB6];
	_ =	sdelay $0x3  }
0x33: {  	p0 =	seq.s32 s10, $0x1;
	s10 =	sld [smem:$0x3FB8];
	_ =	sdelay $0x3  }
0x34: {  	[smem:$0x3FB8] =	sst s10  }
0x35: {  	s10 =	sld [smem:$0x3FB7];
	_ =	sdelay $0x3  }
0x36: {  	p1 =	seq.s32 s10, $0x1;
	s10 =	sld [smem:$0x3FB8];
	_ =	sdelay $0x3  }
0x37: {  	[smem:$0x3FB8] =	sst s10  }
0x38: {  	s10 =	sld [smem:$0x3FB9]  }
0x39: {  	_ = 	snop;
	(pc) =	sbr.ind lr, $3  }
0x3a: {  	_ = 	snop  }
0x3b: {  	_ = 	snop  }
0x3c: {  	p2 =	seq.s32 s10, $0x1;
	s10 =	sld [smem:$0x3FB8]  }
0x3d: {  	_ =	shalt  }
0x3e: {  	_ =	shalt  }
0x3f: {  	_ =	shalt  }
0x40: {  	_ =	shalt  }
0x41: {  	_ =	shalt  }
0x42: {  	_ =	shalt  }
0x43: {  	_ =	shalt  }
0x44: {  	_ =	shalt  }
0x45: {  	_ =	shalt  }
0x46: {  	_ =	shalt  }
0x47: {  	_ =	shalt  }
0x48: {  	_ =	shalt  }
0x49: {  	_ =	shalt  }
0x4a: {  	_ =	shalt  }
0x4b: {  	_ =	shalt  }
0x4c: {  	_ =	shalt  }
0x4d: {  	_ =	shalt  }
0x4e: {  	_ =	shalt  }
0x4f: {  	_ =	shalt  }
0x50: {  	_ =	shalt  }
0x51: {  	_ =	shalt  }
0x52: {  	_ =	shalt  }
0x53: {  	_ =	shalt  }
0x54: {  	_ =	shalt  }
0x55: {  	_ =	shalt  }
0x56: {  	_ =	shalt  }
0x57: {  	_ =	shalt  }
0x58: {  	_ =	shalt  }
0x59: {  	_ =	shalt  }
0x5a: {  	_ =	shalt  }
0x5b: {  	_ =	shalt  }
0x5c: {  	_ =	shalt  }
0x5d: {  	_ =	shalt  }
0x5e: {  	_ =	shalt  }
0x5f: {  	_ =	shalt  }
0x60: {  	_ =	shalt  }
0x61: {  	_ =	shalt  }
0x62: {  	_ =	shalt  }
0x63: {  	_ =	shalt  }
0x64: {  	_ =	shalt  }
0x65: {  	_ =	shalt  }
0x66: {  	_ =	shalt  }
0x67: {  	_ =	shalt  }
0x68: {  	_ =	shalt  }
0x69: {  	_ =	shalt  }
0x6a: {  	_ =	shalt  }
0x6b: {  	_ =	shalt  }
0x6c: {  	_ =	shalt  }
0x6d: {  	_ =	shalt  }
0x6e: {  	_ =	shalt  }
0x6f: {  	_ =	shalt  }
0x70: {  	_ =	shalt  }
0x71: {  	_ =	shalt  }
0x72: {  	_ =	shalt  }
0x73: {  	_ =	shalt  }
0x74: {  	_ =	shalt  }
0x75: {  	_ =	shalt  }
0x76: {  	_ =	shalt  }
0x77: {  	_ =	shalt  }
0x78: {  	_ =	shalt  }
0x79: {  	_ =	shalt  }
0x7a: {  	_ =	shalt  }
0x7b: {  	_ =	shalt  }
0x7c: {  	_ =	shalt  }
0x7d: {  	_ =	shalt  }
0x7e: {  	_ =	shalt  }
0x7f: {  	_ =	shalt  }
0x80: {  	_ =	shalt  }
0x81: {  	_ =	shalt  }
0x82: {  	_ =	shalt  }
0x83: {  	_ =	shalt  }
0x84: {  	_ =	shalt  }
0x85: {  	_ =	shalt  }
0x86: {  	_ =	shalt  }
0x87: {  	_ =	shalt  }
.Lfunc_end0:
.L_simem_size_0:
called_computation_lowered:
.L_overlay_start_0:
0x88: {  	s2 =	sld [smem:$0x3FD9]  }
0x89: {  	s3 =	sld [smem:$0x3FFE];
	_ =	sdelay $0x1  }
0x8a: {  	s1 =	srdreg.scid  }
0x8b: {  	s0 =	sand.u32 $0x1, s1  }
0x8c: {  	s16 =	sshll.u32 s0, $0xA;
	s2 =	sadd.s32 s3, s2  }
0x8d: {  	s2 =	sadd.s32 s2, s16  }
0x8e: {  	[smem:$0x3FC4] =	sst s2  }
0x8f: {  	_ = 	snop  }
0x90: {  	(tm) =	ssettm $0x1  }
0x91: {  	s17 =	sld [smem:$0x3FFB];
	_ =	sdelay $0x3  }
0x92: {  	_ =	strace s17  }
0x93: {  	s2 =	sld [smem:$0x3FFC];
	_ =	sdelay $0x3  }
0x94: {  	_ =	strace s2  }
0x95: {  	s2 =	sld [smem:$0x3FFD];
	_ =	sdelay $0x3  }
0x96: {  	_ =	strace s2  }
0x97: {  	_ =	strace $0x8FFFFFFF  }
0x98: {  	s18 =	sld [smem:$0x3FDB];
	_ =	sdelay $0x1  }
0x99: {  	s19 =	simm.s32 $_scs_section_size  }
0x9a: {  	s4 =	simm.s32 $_size__tile_overlayer_lowered;
	s5 =	simm.s32 $_tile_overlayer_lowered  }
0x9b: {  	s22 =	simm.s32 $0x1BFF;
	s21 =	sshll.u32 s5, $0x1;
	s2 =	sadd.s32 s19, s18  }
0x9c: {  	s6 =	simm.s32 $0x0;
	s20 =	sshll.u32 s4, $0x1;
	s4 =	sadd.s32 s21, s2  }
0x9d: {  	[timem:s6], [sflag:s22] =	dma.local [hbm:s4], s20  }
0x9e: {  	_ =	swait.ge [sflag:s22], s20  }
0x9f: {  	s3 =	ssub.s32 $0x0, s20;
	[sflag:s22] =	ssyncset.done $0x0  }
0xa0: {  	[sflag:s22] =	ssyncadd.s32 s3;
	_ =	sdelay $0x1  }
0xa1: {  	s23 =	simm.s32 $0x1B8B  }
0xa2: {  	_ =	swait.ge [sflag:s23], $0x1  }
0xa3: {  	[sflag:s23] =	ssyncset.done $0x0  }
0xa4: {  	s25 =	simm.s32 $0x1B8E;
	s24 =	sld [smem:$0x3FFE];
	[sflag:s23] =	ssyncadd.s32 $0xFFFFFFFF  }
0xa5: {  	s26 =	simm.s32 $execute0_lowered;
	[smem:$0x3FD2] =	sst s25  }
0xa6: {  	s4 =	sshll.u32 s26, $0x1;
	_ =	strace $0x80000046;
	[dreg:$0x1] =	wrdreg $0xFFFFFFFF  }
0xa7: {  	s28 =	simm.s32 $_size_execute0_lowered;
	s2 =	sadd.s32 s2, s4;
	[dreg:$0x0] =	wrdreg $0x0  }
0xa8: {  	s4 =	sshll.u32 s28, $0x1;
	[dreg:$0x2] =	wrdreg s2  }
0xa9: {  	[dreg:$0x3] =	wrdreg s4  }
0xaa: {  	[dreg:$0x4] =	wrdreg $0xC0  }
0xab: {  	_ =	task [dreg:s6], $0x5FFFF  }
0xac: {  	[dreg:$0x1] =	wrdreg $0xFFFFFFFF  }
0xad: {  	[dreg:$0x0] =	wrdreg $0x60  }
0xae: {  	[dreg:$0x2] =	wrdreg s24  }
0xaf: {  	[dreg:$0x3] =	wrdreg $0x19800  }
0xb0: {  	[dreg:$0x4] =	wrdreg $0x9  }
0xb1: {  	_ =	task.clear_ibuf [dreg:s6], $0x5FFFF;
	_ =	strace $0x90000046  }
0xb2: {  	s29 =	simm.s32 $0x9;
	_ =	strace $0x80000048  }
0xb3: {  	_ =	swait.ge [sflag:s29], $0x1  }
0xb4: {  	[sflag:s29] =	ssyncadd.s32 $0xFFFFFFFF  }
0xb5: {  	_ =	strace $0x90000048  }
0xb6: {  	_ =	sfence  }
0xb7: {  	s30 =	sld [smem:$0x0];
	_ =	sdelay $0x2  }
0xb8: {  	s31 =	sshll.u32 s1, $0xD;
	s1 =	sshrl.u32 s1, $0x2  }
0xb9: {  	s3 =	sand.u32 $0x4000, s31;
	s1 =	sadd.s32 s1, s30  }
0xba: {  	s0 =	sor.u32 s3, s0;
	s1 =	sshll.u32 s1, $0x11  }
0xbb: {  	s0 =	sor.u32 s1, s0  }
0xbc: {  	s0 =	sadd.s32 $0x8F2B, s0  }
0xbd: {  	[sflag:s0] =	ssyncadd.remote.s32 $0x1  }
0xbe: {  	_ =	sfence.sel $0xFFFF  }
0xbf: {  	[dreg:$0x0] =	wrdreg $0xFFFFFFFF;
	(pc) =	sbr.abs _section_cstart, $3  }
0xc0: {  	[dreg:$0x1] =	wrdreg $0xFFFFFFFF  }
0xc1: {  	_ =	task.clear_ibuf [dreg:s6], $0x2FFFF;
	_ =	strace $0x9FFFFFFF  }
0xc2: {  	(tm) =	ssettm $0x7FFFFFFF  }
0xc3: {  	_ =	shalt  }
tec
execute0_lowered:
.L_overlay_start_1:
0x0: {  	(tag) =	ssettag $0x1  }
0x1: {  	s4 =	rddreg [dreg:$0x0]  }
0x2: {  	s1 =	rddreg [dreg:$0x1]  }
0x3: {  	s0 =	rddreg [dreg:$0x2];
	s3 =	simm.s32 $0x0;
	s5 =	srdreg.scid  }
0x4: {  	s2 =	stileid.u32;
	s10 =	simm.s32 $0x100;
	s11 =	simm.s32 $0x10  }
0x5: {  	s15 =	simm.s32 $0x20;
	s16 =	simm.s32 $0x0;
	[smem:$0x7FF] =	sst s3  }
0x6: {  	s5 =	sand.u32 $0x1, s5;
	s6 =	sshll.u32 s2, $0x5;
	s8 =	smul.u32 $0x6200, s2  }
0x7: {  	s13 =	smul.u32 $0x620, s2;
	s14 =	sshll.u32 s2, $0x6;
	s7 =	sshll.u32 s5, $0x4  }
0x8: {  	_ =	strace $0x80000047;
	s5 =	ssub.s32 $0x2, s5;
	s6 =	sor.u32 s7, s6  }
0x9: {  	s7 =	sadd.s32 s7, s4;
	s31 =	sshrl.u32 s5, $0x1;
	s8 =	sshrl.u32 s8, $0x2  }
0xa: {  	s6 =	sadd.s32 s6, s4;
	s9 =	ssub.s32 s5, s31;
	s12 =	sadd.s32 $0xA00, s7  }
0xb: {  	s4 =	sadd.s32 $0x800, s6;
	s5 =	sadd.s32 $0x600, s6;
	s6 =	sadd.s32 s8, s1  }
0xc: {  	s7 =	smax.u32 s9, $0x1;
	s8 =	simm.s32 $0x1;
	s9 =	simm.s32 $0x80  }
0xd: {  	v0 =	vimm.f32 $0.0e+00;
	s12 =	sadd.s32 s13, s12;
	s13 =	sor.u32 $0x1C01, s14;
	s14 =	sshrl.u32 s6, $0x3  }
.LBB2_1:
0xe: {  	[tilespmem:s3], [sflag:$0x1] =	stream.linear.gather [hbm4b:s4+s3], $0x80, $0x38;
	[tilespmem:$0x3200] =	vst v63  }
0xf: {  	_ =	swait.ge [sflag:s8], $0x80  }
0x10: {  	[sflag:s8] =	ssyncset.done $0x0  }
0x11: {  	[sflag:s8] =	ssyncadd.s32 $0xFFFFFF80  }
0x12: {  	[tilespmem:s9], [sflag:$0x1] =	stream.linear.gather [hbm4b:s5+s3], $0x80, $0x38;
	[tilespmem:$0x3200] =	vst v63  }
0x13: {  	_ =	swait.ge [sflag:s8], $0x80  }
0x14: {  	[sflag:s8] =	ssyncset.done $0x0  }
0x15: {  	s17 =	simm.s32 $0x40;
	s18 =	simm.s32 $0x0;
	[sflag:s8] =	ssyncadd.s32 $0xFFFFFF80  }
.LBB2_2:
0x16: {  	p0 =	sne.s32 s17, $0x61C0;
	[tilespmem:s18+$0x100] =	vst v0;
	s18 =	smov.u32 s17;
	s17 =	sadd.s32 $0x40, s17  }
.Ltmp0:
0x17: {  	(pc) =	sbr.rel @p0 .LBB2_2-.Ltmp0, $2  }
0x18: {  	_ =	sdelay $0x2  }
0x19: {  	s18 =	sshra.s32 s18, $0x2  }
0x1a: {  	[tilespmem:s18+$0x100] =	vst v0  }
0x1b: {  	[spmem:s6] =	stream.linear.scatter [tilespmem:s10], [sflag:$0x1], $0x1880, $0x38;
	[tilespmem:$0x3200] =	vst v63  }
0x1c: {  	_ =	swait.ge [sflag:s8], $0x1880  }
0x1d: {  	[sflag:s8] =	ssyncset.done $0x0  }
0x1e: {  	[sflag:s8] =	ssyncadd.s32 $0xFFFFE780  }
0x1f: {  	[bflag:$0x0] =	sbarrier.arrive $0xFFFF  }
0x20: {  	[spmem:s1] =	stream.indirect.scatter.add.f32 [tilespmem:s9], [sflag:$0x1], $0x1, s3, s11, $0xb8;
	[tilespmem:$0x3200] =	vst v63  }
0x21: {  	_ =	swait.ge [sflag:s8], $0x10  }
0x22: {  	s16 =	sadd.s32 $0x1, s16;
	[sflag:s8] =	ssyncset.done $0x0  }
0x23: {  	p0 =	sne.s32 s16, s7;
	[sflag:s8] =	ssyncadd.s32 $0xFFFFFFF0  }
.Ltmp1:
0x24: {  	[bflag:$0x0] =	sbarrier.arrive $0xFFFF;
	(pc) =	sbr.rel @p0 .LBB2_1-.Ltmp1, $4  }
0x25: {  	[hbm:s12@s15], [sflag:s13] =	dma.strided [spmem:s14@s11], $0x310, s8, $0x10   }
0x26: {  	_ =	swait.ge [sflag:s8], $0x310  }
0x27: {  	[sflag:s8] =	ssyncset.done $0x0  }
0x28: {  	[sflag:s8] =	ssyncadd.s32 $0xFFFFFCF0  }
0x29: {  	_ =	sfence.sel $0x180000  }
0x2a: {  	[bflag:$0x0] =	sbarrier.arrive $0xFFFF  }
0x2b: {  	p0 =	sne.s32 s2, $0x0;
	_ =	strace $0x90000047  }
0x2c: {  	s0 =	sadd.s32 @!p0 $0x100000, s0;
	[bflag:$0x2] =	sbarrier.arrive $0xFFFF  }
0x2d: {  	[sflag:s0] =	ssyncadd.tile.s32 @!p0 $0x1;
	_ =	shalt  }
.Lfunc_end2:
_tile_overlayer_lowered:
.L_overlay_start_2:
0x2e: {  	(tag) =	ssettag $0x2  }
0x2f: {  	s0 =	rddreg [dreg:$0x0];
	s2 =	stileid.u32  }
0x30: {  	s1 =	rddreg [dreg:$0x1];
	p0 =	sne.s32 s2, $0x0  }
0x31: {  	s3 =	rddreg [dreg:$0x2];
	[bflag:$0x3] =	sbarrier.arrive $0xFFFF;
	s2 =	simm.s32 @!p0 $0x1C01  }
0x32: {  	[timem:s3], [sflag:s2] =	dma.local @!p0 [hbm:s0], s1  }
0x33: {  	s0 =	simm.s32 @!p0 $0x1  }
0x34: {  	_ =	swait.ge @!p0 [sflag:s0], s1  }
0x35: {  	s1 =	ssub.s32 @!p0 $0x0, s1;
	[sflag:s0] =	ssyncset.done @!p0 $0x0  }
0x36: {  	[sflag:s0] =	ssyncadd.s32 @!p0 s1  }
0x37: {  	[bflag:$0x3] =	sbarrier.arrive $0xFFFF  }
0x38: {  	_ =	shalt  }

</sc_bundles>
